<compile_context>
chip_gen: v7x
topology: tpu7x:2x2x1
jax: 0.10.2.dev20260603
libtpu: 0.0.44.dev20260713+nightly
codegen_flags: <defaults>
</compile_context>

<pallas_src>
import functools

import numpy as np
import jax
import jax.numpy as jnp
from jax import lax
from jax.experimental import pallas as pl
from jax.experimental.pallas import tpu as pltpu
from jax.experimental.pallas import tpu_sc as plsc

NUM_SPHERICAL = 3
NUM_RADIAL = 6
CUTOFF = 5.0
E = 800000
T = 800000

_ZEROS = np.array([
    [np.pi * (i + 1) for i in range(NUM_RADIAL)],
    [4.493409457909064, 7.725251836937707, 10.904121659428899,
     14.066193912831473, 17.220755271930768, 20.371302959287561],
    [5.763459196894550, 9.095011330476355, 12.322940970566582,
     15.514603010886749, 18.689036355362822, 21.853874222709714],
])


def _jn_np(l, x):
    if l == 0:
        return np.sin(x) / x
    if l == 1:
        return np.sin(x) / x**2 - np.cos(x) / x
    if l == 2:
        return (3.0 / x**2 - 1.0) * np.sin(x) / x - 3.0 * np.cos(x) / x**2
    return (15.0 / x**3 - 6.0 / x) * np.sin(x) / x - (15.0 / x**2 - 1.0) * np.cos(x) / x


_NORMS = np.stack(
    [1.0 / np.sqrt(0.5 * _jn_np(l + 1, _ZEROS[l]) ** 2) for l in range(NUM_SPHERICAL)]
)

_ZN3 = np.stack([_ZEROS, _NORMS], axis=2).astype(np.float32)


_NC = 2
_NS = 16
_NW = _NC * _NS
_TW = T // _NW


@functools.cache
def _sc_gather_build():
    mesh = plsc.VectorSubcoreMesh(core_axis_name="c", subcore_axis_name="s")

    @functools.partial(
        pl.kernel,
        mesh=mesh,
        out_type=jax.ShapeDtypeStruct((T,), jnp.float32),
        scratch_types=[
            pltpu.VMEM((_TW,), jnp.int32),
            pltpu.VMEM((_TW,), jnp.float32),
            pltpu.SemaphoreType.DMA,
        ],
    )
    def gather_kernel(dist_hbm, idx_hbm, out_hbm, idx_v, val_v, sem):
        wid = lax.axis_index("s") * _NC + lax.axis_index("c")
        base = wid * _TW
        pltpu.sync_copy(idx_hbm.at[pl.ds(base, _TW)], idx_v)
        pltpu.async_copy(dist_hbm.at[idx_v], val_v, sem).wait()
        pltpu.sync_copy(val_v, out_hbm.at[pl.ds(base, _TW)])

    return gather_kernel


_CL = 16000

_INV2PI = 0.15915494309189535
_RC1 = 6.28125
_RC2 = 0.001935307179586232
_SIN_C = (0.9999999561764407, -0.16666631900179685, 0.008332890496615586,
          -0.00019820752631751807, 2.7127949387433876e-06,
          -2.0872440701367518e-08)
_COS_C = (0.9999994434183087, -0.4999955803668441, 0.041661031574084934,
          -0.0013862743260169637, 2.425313775013311e-05,
          -2.219369417043633e-07)


def _sincos(a):
    q = jnp.round(a * _INV2PI)
    r = (a - q * _RC1) - q * _RC2
    r2 = r * r
    s = _SIN_C[5]
    c = _COS_C[5]
    for i in (4, 3, 2, 1, 0):
        s = _SIN_C[i] + r2 * s
        c = _COS_C[i] + r2 * c
    return r * s, c


def _tc_body(d_ref, a_ref, p_ref, zn_ref, o_ref):
    x = d_ref[...] * (1.0 / CUTOFF)

    rbf = []
    for l in range(NUM_SPHERICAL):
        z = zn_ref[l, :, 0:1]
        n = zn_ref[l, :, 1:2]
        arg = z * x
        s, c = _sincos(arg)
        inv = 1.0 / arg
        s_inv = s * inv
        if l == 0:
            f = s_inv
        elif l == 1:
            f = (s_inv - c) * inv
        else:
            inv2 = inv * inv
            f = 3.0 * (s_inv - c) * inv2 - s_inv
        rbf.append(n * f)

    ap = jnp.concatenate([a_ref[...], p_ref[...]], axis=0)
    sang, cang = _sincos(ap)
    st = sang[0:1, :]
    sp = sang[1:2, :]
    ct = cang[0:1, :]
    cp = cang[1:2, :]
    v1 = 0.4886025119029199 * ct
    v2 = -0.4886025119029199 * st * cp
    v3 = -0.4886025119029199 * st * sp
    v4 = 0.31539156525252005 * (3.0 * ct * ct - 1.0)
    v5 = -1.0925484305920792 * st * ct * cp
    v6 = 0.5462742152960396 * st * st * (cp * cp - sp * sp)
    v7 = 0.5462742152960396 * st * st * (2.0 * sp * cp)
    v8 = -1.0925484305920792 * st * ct * sp
    v0 = jnp.full_like(v1, 0.28209479177387814)

    vs = (v0, v1, v2, v3, v4, v5, v6, v7, v8)
    out54 = jnp.concatenate(
        [vs[i * 3 + j] * rbf[j] for i in range(3) for j in range(3)],
        axis=0)
    o_ref[...] = out54.T


def _tc_compute(dist_g, angle, phi):
    grid = T // _CL
    return pl.pallas_call(
        _tc_body,
        grid=(grid,),
        in_specs=[
            pl.BlockSpec((1, _CL), lambda g: (0, g)),
            pl.BlockSpec((1, _CL), lambda g: (0, g)),
            pl.BlockSpec((1, _CL), lambda g: (0, g)),
            pl.BlockSpec((3, 6, 2), lambda g: (0, 0, 0)),
        ],
        out_specs=pl.BlockSpec((_CL, 54), lambda g: (g, 0)),
        out_shape=jax.ShapeDtypeStruct((T, 54), jnp.float32),
        compiler_params=pltpu.CompilerParams(
            dimension_semantics=("parallel",),
        ),
    )(dist_g.reshape(1, T), angle.reshape(1, T), phi.reshape(1, T), jnp.asarray(_ZN3))


def kernel(dist, angle, phi, idx_kj):
    dist_g = _sc_gather_build()(dist, idx_kj)
    return _tc_compute(dist_g, angle, phi)

# --- scband reference (transcript-rebuilt; emitter-appended) ---
"""Pipeline reference for scband-torsional-embedding-30408368456388 (READ-ONLY COPY).

The authoritative reference and input builder live on the scoring server;
editing this copy changes nothing except your own understanding.
"""

import jax, jax.numpy as jnp
import numpy as np

NUM_SPHERICAL = 3
NUM_RADIAL = 6
CUTOFF = 5.0
E = 800000
T = 800000

# first 6 positive zeros of spherical Bessel functions j_0, j_1, j_2
_Z = np.array([
    [np.pi * (i + 1) for i in range(NUM_RADIAL)],
    [4.493409457909064, 7.725251836937707, 10.904121659428899,
     14.066193912831473, 17.220755271930768, 20.371302959287561],
    [5.763459196894550, 9.095011330476355, 12.322940970566582,
     15.514603010886749, 18.689036355362822, 21.853874222709714],
])

def _jn_np(l, x):
    if l == 0:
        return np.sin(x) / x
    if l == 1:
        return np.sin(x) / x**2 - np.cos(x) / x
    if l == 2:
        return (3.0 / x**2 - 1.0) * np.sin(x) / x - 3.0 * np.cos(x) / x**2
    return (15.0 / x**3 - 6.0 / x) * np.sin(x) / x - (15.0 / x**2 - 1.0) * np.cos(x) / x

# normalizer N_{l,k} = 1/sqrt(0.5 * j_{l+1}(z_{l,k})^2)  (DimeNet bessel_basis)
_NORM = np.stack([1.0 / np.sqrt(0.5 * _jn_np(l + 1, _Z[l]) ** 2) for l in range(NUM_SPHERICAL)])

def _jl(l, x):
    if l == 0:
        return jnp.sin(x) / x
    if l == 1:
        return jnp.sin(x) / x**2 - jnp.cos(x) / x
    return (3.0 / x**2 - 1.0) * jnp.sin(x) / x - 3.0 * jnp.cos(x) / x**2

def _rbf(dist):
    x = dist / CUTOFF
    cols = []
    for l in range(NUM_SPHERICAL):
        for k in range(NUM_RADIAL):
            cols.append(_NORM[l, k] * _jl(l, _Z[l, k] * x))
    return jnp.stack(cols, axis=1)

def _cbf(theta, phi):
    ct, st = jnp.cos(theta), jnp.sin(theta)
    cp, sp = jnp.cos(phi), jnp.sin(phi)
    cols = [
        jnp.full_like(theta, 0.28209479177387814),
        0.4886025119029199 * ct,
        -0.4886025119029199 * st * cp,
        -0.4886025119029199 * st * sp,
        0.31539156525252005 * (3.0 * ct**2 - 1.0),
        -1.0925484305920792 * st * ct * cp,
        0.5462742152960396 * st**2 * (cp**2 - sp**2),
        0.5462742152960396 * st**2 * (2.0 * sp * cp),
        -1.0925484305920792 * st * ct * sp,
    ]
    return jnp.stack(cols, axis=1)

def setup_inputs(seed: int = 0) -> dict:
    key = jax.random.key(seed)
    k1, k2, k3, k4 = jax.random.split(key, 4)
    dist = jax.random.uniform(k1, (E,), dtype=jnp.float32, minval=0.5, maxval=CUTOFF)
    angle = jax.random.uniform(k2, (T,), dtype=jnp.float32, minval=0.0, maxval=float(np.pi))
    phi = jax.random.uniform(k3, (T,), dtype=jnp.float32, minval=0.0, maxval=float(2.0 * np.pi))
    idx_kj = jax.random.randint(k4, (T,), 0, E, dtype=jnp.int32)
    return {"dist": dist, "angle": angle, "phi": phi, "idx_kj": idx_kj}

def reference(dist, angle, phi, idx_kj):
    rbf = _rbf(dist)
    cbf = _cbf(angle, phi)
    n, k = NUM_SPHERICAL, NUM_RADIAL
    out = (jnp.take(rbf, idx_kj, axis=0).reshape(-1, 1, n, k) * cbf.reshape(-1, n, n, 1)).reshape(-1, n * n * k)
    return out

if __name__ == "__main__":
    import jax
    _d = setup_inputs()
    print(jax.jit(kernel)(*tuple(_d.values())))

</pallas_src>

<mosaic_0001>
#map = affine_map<(d0, d1) -> (0)>
module attributes {stable_mosaic.version = 14 : i64} {
  func.func @gather_kernel(%arg0: i32, %arg1: i32, %arg2: memref<800000xf32, #tpu.memory_space<hbm>>, %arg3: memref<800000xi32, #tpu.memory_space<hbm>>, %arg4: memref<800000xf32, #tpu.memory_space<hbm>>, %arg5: memref<25000xi32, #tpu.memory_space<vmem>>, %arg6: memref<25000xf32, #tpu.memory_space<vmem>>, %arg7: memref<!tpu.dma_semaphore, #tpu.memory_space<semaphore_mem>>) attributes {dimension_semantics = [#tpu.dimension_semantics<core_parallel>, #tpu.dimension_semantics<subcore_parallel>], iteration_bounds = array<i64: 2, 16>, scalar_prefetch = 0 : i64, scratch_operands = 3 : i64, tpu.core_type = #tpu.core_type<sc_vector_subcore>, window_params = [{transform_indices = #map}, {transform_indices = #map}, {transform_indices = #map}]} {
    %mul3A = arith.constant 2 : i32
    %mul3A_0 = arith.muli %arg1, %mul3A : i32
    %add3A = arith.addi %mul3A_0, %arg0 : i32
    %mul3A_1 = arith.constant 25000 : i32
    %mul3A_2 = arith.muli %add3A, %mul3A_1 : i32
    "tpu.region"() ({
      %run_scoped3A = tpu.sem_alloc : memref<!tpu.dma_semaphore, #tpu.memory_space<semaphore_mem>>
      %dma_start3A_5 = tpu.memref_slice %arg3[%mul3A_2] : memref<800000xi32, #tpu.memory_space<hbm>> -> memref<25000xi32, #tpu.memory_space<hbm>>
      %dma_start3A_6 = tpu.memref_slice %arg3[%mul3A_2] : memref<800000xi32, #tpu.memory_space<hbm>> -> memref<25000xi32, #tpu.memory_space<hbm>>
      tpu.enqueue_dma source(%dma_start3A_6 : memref<25000xi32, #tpu.memory_space<hbm>>) target(%arg5 : memref<25000xi32, #tpu.memory_space<vmem>>) target_semaphore(%run_scoped3A : memref<!tpu.dma_semaphore, #tpu.memory_space<semaphore_mem>>)
      %dma_wait3A_7 = tpu.memref_slice %arg3[%mul3A_2] : memref<800000xi32, #tpu.memory_space<hbm>> -> memref<25000xi32, #tpu.memory_space<hbm>>
      %dma_wait3A_8 = tpu.memref_slice %arg3[%mul3A_2] : memref<800000xi32, #tpu.memory_space<hbm>> -> memref<25000xi32, #tpu.memory_space<hbm>>
      tpu.wait_dma2 semaphore(%run_scoped3A : memref<!tpu.dma_semaphore, #tpu.memory_space<semaphore_mem>>) src(%dma_wait3A_8 : memref<25000xi32, #tpu.memory_space<hbm>>) dst(%arg5 : memref<25000xi32, #tpu.memory_space<vmem>>)
      tpu.yield
    }) : () -> ()
    %dma_start3A = arith.constant 0 : i32
    %dma_start3A_3 = tpu.memref_slice %arg2[%dma_start3A] : memref<800000xf32, #tpu.memory_space<hbm>> -> memref<800000xf32, #tpu.memory_space<hbm>>
    tpu.enqueue_indirect_dma source(%dma_start3A_3 : memref<800000xf32, #tpu.memory_space<hbm>>) target(%arg6 : memref<25000xf32, #tpu.memory_space<vmem>>) offsets(%arg5 : memref<25000xi32, #tpu.memory_space<vmem>>) semaphore(%arg7 : memref<!tpu.dma_semaphore, #tpu.memory_space<semaphore_mem>>)
    %dma_wait3A = arith.constant 0 : i32
    %dma_wait3A_4 = tpu.memref_slice %arg2[%dma_wait3A] : memref<800000xf32, #tpu.memory_space<hbm>> -> memref<800000xf32, #tpu.memory_space<hbm>>
    tpu.wait_indirect_dma semaphore(%arg7 : memref<!tpu.dma_semaphore, #tpu.memory_space<semaphore_mem>>) src(%dma_wait3A_4 : memref<800000xf32, #tpu.memory_space<hbm>>) dst(%arg6 : memref<25000xf32, #tpu.memory_space<vmem>>)
    "tpu.region"() ({
      %run_scoped3A = tpu.sem_alloc : memref<!tpu.dma_semaphore, #tpu.memory_space<semaphore_mem>>
      %dma_start3A_5 = tpu.memref_slice %arg4[%mul3A_2] : memref<800000xf32, #tpu.memory_space<hbm>> -> memref<25000xf32, #tpu.memory_space<hbm>>
      %dma_start3A_6 = tpu.memref_slice %arg4[%mul3A_2] : memref<800000xf32, #tpu.memory_space<hbm>> -> memref<25000xf32, #tpu.memory_space<hbm>>
      tpu.enqueue_dma source(%arg6 : memref<25000xf32, #tpu.memory_space<vmem>>) target(%dma_start3A_6 : memref<25000xf32, #tpu.memory_space<hbm>>) target_semaphore(%run_scoped3A : memref<!tpu.dma_semaphore, #tpu.memory_space<semaphore_mem>>)
      %dma_wait3A_7 = tpu.memref_slice %arg4[%mul3A_2] : memref<800000xf32, #tpu.memory_space<hbm>> -> memref<25000xf32, #tpu.memory_space<hbm>>
      %dma_wait3A_8 = tpu.memref_slice %arg4[%mul3A_2] : memref<800000xf32, #tpu.memory_space<hbm>> -> memref<25000xf32, #tpu.memory_space<hbm>>
      tpu.wait_dma2 semaphore(%run_scoped3A : memref<!tpu.dma_semaphore, #tpu.memory_space<semaphore_mem>>) src(%arg6 : memref<25000xf32, #tpu.memory_space<vmem>>) dst(%dma_wait3A_8 : memref<25000xf32, #tpu.memory_space<hbm>>)
      tpu.yield
    }) : () -> ()
    return
  }
}

module attributes {stable_mosaic.version = 14 : i64} {
  func.func @_tc_body(%arg0: i32, %arg1: memref<1x16000xf32, #tpu.memory_space<vmem>>, %arg2: memref<1x16000xf32, #tpu.memory_space<vmem>>, %arg3: memref<1x16000xf32, #tpu.memory_space<vmem>>, %arg4: memref<3x6x2xf32, #tpu.memory_space<vmem>>, %arg5: memref<16000x54xf32, #tpu.memory_space<vmem>>) attributes {dimension_semantics = [#tpu.dimension_semantics<parallel>], iteration_bounds = array<i64: 50>, scalar_prefetch = 0 : i64, scratch_operands = 0 : i64, tpu.core_type = #tpu.core_type<tc>, window_params = [{transform_indices = @transform_0, window_bounds = array<i64: 1, 16000>}, {transform_indices = @transform_1, window_bounds = array<i64: 1, 16000>}, {transform_indices = @transform_2, window_bounds = array<i64: 1, 16000>}, {pipeline_mode = #tpu.pipeline_mode<synchronous>, transform_indices = @transform_3, window_bounds = array<i64: 3, 6, 2>}, {transform_indices = @transform_4, window_bounds = array<i64: 16000, 54>}]} {
    %get3A = arith.constant 0 : index
    %get3A_0 = arith.constant 0 : index
    %get3A_1 = vector.load %arg1[%get3A, %get3A_0] : memref<1x16000xf32, #tpu.memory_space<vmem>>, vector<1x16000xf32>
    %mul3A = arith.constant 2.000000e-01 : f32
    %mul3A_2 = vector.broadcast %mul3A : f32 to vector<1x16000xf32>
    %mul3A_3 = arith.mulf %get3A_1, %mul3A_2 : vector<1x16000xf32>
    %get3A_4 = arith.constant 0 : index
    %get3A_5 = arith.constant 0 : index
    %get3A_6 = arith.constant 0 : index
    %get3A_7 = vector.load %arg4[%get3A_4, %get3A_5, %get3A_6] : memref<3x6x2xf32, #tpu.memory_space<vmem>>, vector<1x6x1xf32>
    %get3A_8 = vector.shape_cast %get3A_7 : vector<1x6x1xf32> to vector<6x1xf32>
    %get3A_9 = arith.constant 0 : index
    %get3A_10 = arith.constant 0 : index
    %get3A_11 = arith.constant 1 : index
    %get3A_12 = vector.load %arg4[%get3A_9, %get3A_10, %get3A_11] : memref<3x6x2xf32, #tpu.memory_space<vmem>>, vector<1x6x1xf32>
    %get3A_13 = vector.shape_cast %get3A_12 : vector<1x6x1xf32> to vector<6x1xf32>
    %mul3A_14 = vector.broadcast %get3A_8 : vector<6x1xf32> to vector<6x16000xf32>
    %mul3A_15 = vector.broadcast %mul3A_3 : vector<1x16000xf32> to vector<6x16000xf32>
    %mul3A_16 = arith.mulf %mul3A_14, %mul3A_15 : vector<6x16000xf32>
    %mul3A_17 = arith.constant 0.159154937 : f32
    %mul3A_18 = vector.broadcast %mul3A_17 : f32 to vector<6x16000xf32>
    %mul3A_19 = arith.mulf %mul3A_16, %mul3A_18 : vector<6x16000xf32>
    %round3A = math.roundeven %mul3A_19 : vector<6x16000xf32>
    %mul3A_20 = arith.constant 6.281250e+00 : f32
    %mul3A_21 = vector.broadcast %mul3A_20 : f32 to vector<6x16000xf32>
    %mul3A_22 = arith.mulf %round3A, %mul3A_21 : vector<6x16000xf32>
    %sub3A = arith.subf %mul3A_16, %mul3A_22 : vector<6x16000xf32>
    %mul3A_23 = arith.constant 0.00193530717 : f32
    %mul3A_24 = vector.broadcast %mul3A_23 : f32 to vector<6x16000xf32>
    %mul3A_25 = arith.mulf %round3A, %mul3A_24 : vector<6x16000xf32>
    %sub3A_26 = arith.subf %sub3A, %mul3A_25 : vector<6x16000xf32>
    %mul3A_27 = arith.mulf %sub3A_26, %sub3A_26 : vector<6x16000xf32>
    %mul3A_28 = arith.constant -2.08724416E-8 : f32
    %mul3A_29 = vector.broadcast %mul3A_28 : f32 to vector<6x16000xf32>
    %mul3A_30 = arith.mulf %mul3A_27, %mul3A_29 : vector<6x16000xf32>
    %add3A = arith.constant 2.71279487E-6 : f32
    %add3A_31 = vector.broadcast %add3A : f32 to vector<6x16000xf32>
    %add3A_32 = arith.addf %add3A_31, %mul3A_30 : vector<6x16000xf32>
    %mul3A_33 = arith.mulf %mul3A_27, %add3A_32 : vector<6x16000xf32>
    %add3A_34 = arith.constant -1.98207519E-4 : f32
    %add3A_35 = vector.broadcast %add3A_34 : f32 to vector<6x16000xf32>
    %add3A_36 = arith.addf %add3A_35, %mul3A_33 : vector<6x16000xf32>
    %mul3A_37 = arith.mulf %mul3A_27, %add3A_36 : vector<6x16000xf32>
    %add3A_38 = arith.constant 8.332890e-03 : f32
    %add3A_39 = vector.broadcast %add3A_38 : f32 to vector<6x16000xf32>
    %add3A_40 = arith.addf %add3A_39, %mul3A_37 : vector<6x16000xf32>
    %mul3A_41 = arith.mulf %mul3A_27, %add3A_40 : vector<6x16000xf32>
    %add3A_42 = arith.constant -0.166666314 : f32
    %add3A_43 = vector.broadcast %add3A_42 : f32 to vector<6x16000xf32>
    %add3A_44 = arith.addf %add3A_43, %mul3A_41 : vector<6x16000xf32>
    %mul3A_45 = arith.mulf %mul3A_27, %add3A_44 : vector<6x16000xf32>
    %add3A_46 = arith.constant 0.99999994 : f32
    %add3A_47 = vector.broadcast %add3A_46 : f32 to vector<6x16000xf32>
    %add3A_48 = arith.addf %add3A_47, %mul3A_45 : vector<6x16000xf32>
    %mul3A_49 = arith.mulf %sub3A_26, %add3A_48 : vector<6x16000xf32>
    %div3A = arith.constant 1.000000e+00 : f32
    %div3A_50 = vector.broadcast %div3A : f32 to vector<6x16000xf32>
    %div3A_51 = arith.divf %div3A_50, %mul3A_16 : vector<6x16000xf32>
    %mul3A_52 = arith.mulf %mul3A_49, %div3A_51 : vector<6x16000xf32>
    %mul3A_53 = vector.broadcast %get3A_13 : vector<6x1xf32> to vector<6x16000xf32>
    %mul3A_54 = arith.mulf %mul3A_53, %mul3A_52 : vector<6x16000xf32>
    %get3A_55 = arith.constant 1 : index
    %get3A_56 = arith.constant 0 : index
    %get3A_57 = arith.constant 0 : index
    %get3A_58 = vector.load %arg4[%get3A_55, %get3A_56, %get3A_57] : memref<3x6x2xf32, #tpu.memory_space<vmem>>, vector<1x6x1xf32>
    %get3A_59 = vector.shape_cast %get3A_58 : vector<1x6x1xf32> to vector<6x1xf32>
    %get3A_60 = arith.constant 1 : index
    %get3A_61 = arith.constant 0 : index
    %get3A_62 = arith.constant 1 : index
    %get3A_63 = vector.load %arg4[%get3A_60, %get3A_61, %get3A_62] : memref<3x6x2xf32, #tpu.memory_space<vmem>>, vector<1x6x1xf32>
    %get3A_64 = vector.shape_cast %get3A_63 : vector<1x6x1xf32> to vector<6x1xf32>
    %mul3A_65 = vector.broadcast %get3A_59 : vector<6x1xf32> to vector<6x16000xf32>
    %mul3A_66 = vector.broadcast %mul3A_3 : vector<1x16000xf32> to vector<6x16000xf32>
    %mul3A_67 = arith.mulf %mul3A_65, %mul3A_66 : vector<6x16000xf32>
    %mul3A_68 = arith.constant 0.159154937 : f32
    %mul3A_69 = vector.broadcast %mul3A_68 : f32 to vector<6x16000xf32>
    %mul3A_70 = arith.mulf %mul3A_67, %mul3A_69 : vector<6x16000xf32>
    %round3A_71 = math.roundeven %mul3A_70 : vector<6x16000xf32>
    %mul3A_72 = arith.constant 6.281250e+00 : f32
    %mul3A_73 = vector.broadcast %mul3A_72 : f32 to vector<6x16000xf32>
    %mul3A_74 = arith.mulf %round3A_71, %mul3A_73 : vector<6x16000xf32>
    %sub3A_75 = arith.subf %mul3A_67, %mul3A_74 : vector<6x16000xf32>
    %mul3A_76 = arith.constant 0.00193530717 : f32
    %mul3A_77 = vector.broadcast %mul3A_76 : f32 to vector<6x16000xf32>
    %mul3A_78 = arith.mulf %round3A_71, %mul3A_77 : vector<6x16000xf32>
    %sub3A_79 = arith.subf %sub3A_75, %mul3A_78 : vector<6x16000xf32>
    %mul3A_80 = arith.mulf %sub3A_79, %sub3A_79 : vector<6x16000xf32>
    %mul3A_81 = arith.constant -2.08724416E-8 : f32
    %mul3A_82 = vector.broadcast %mul3A_81 : f32 to vector<6x16000xf32>
    %mul3A_83 = arith.mulf %mul3A_80, %mul3A_82 : vector<6x16000xf32>
    %add3A_84 = arith.constant 2.71279487E-6 : f32
    %add3A_85 = vector.broadcast %add3A_84 : f32 to vector<6x16000xf32>
    %add3A_86 = arith.addf %add3A_85, %mul3A_83 : vector<6x16000xf32>
    %mul3A_87 = arith.constant -2.21936943E-7 : f32
    %mul3A_88 = vector.broadcast %mul3A_87 : f32 to vector<6x16000xf32>
    %mul3A_89 = arith.mulf %mul3A_80, %mul3A_88 : vector<6x16000xf32>
    %add3A_90 = arith.constant 2.42531369E-5 : f32
    %add3A_91 = vector.broadcast %add3A_90 : f32 to vector<6x16000xf32>
    %add3A_92 = arith.addf %add3A_91, %mul3A_89 : vector<6x16000xf32>
    %mul3A_93 = arith.mulf %mul3A_80, %add3A_86 : vector<6x16000xf32>
    %add3A_94 = arith.constant -1.98207519E-4 : f32
    %add3A_95 = vector.broadcast %add3A_94 : f32 to vector<6x16000xf32>
    %add3A_96 = arith.addf %add3A_95, %mul3A_93 : vector<6x16000xf32>
    %mul3A_97 = arith.mulf %mul3A_80, %add3A_92 : vector<6x16000xf32>
    %add3A_98 = arith.constant -0.00138627435 : f32
    %add3A_99 = vector.broadcast %add3A_98 : f32 to vector<6x16000xf32>
    %add3A_100 = arith.addf %add3A_99, %mul3A_97 : vector<6x16000xf32>
    %mul3A_101 = arith.mulf %mul3A_80, %add3A_96 : vector<6x16000xf32>
    %add3A_102 = arith.constant 8.332890e-03 : f32
    %add3A_103 = vector.broadcast %add3A_102 : f32 to vector<6x16000xf32>
    %add3A_104 = arith.addf %add3A_103, %mul3A_101 : vector<6x16000xf32>
    %mul3A_105 = arith.mulf %mul3A_80, %add3A_100 : vector<6x16000xf32>
    %add3A_106 = arith.constant 0.0416610315 : f32
    %add3A_107 = vector.broadcast %add3A_106 : f32 to vector<6x16000xf32>
    %add3A_108 = arith.addf %add3A_107, %mul3A_105 : vector<6x16000xf32>
    %mul3A_109 = arith.mulf %mul3A_80, %add3A_104 : vector<6x16000xf32>
    %add3A_110 = arith.constant -0.166666314 : f32
    %add3A_111 = vector.broadcast %add3A_110 : f32 to vector<6x16000xf32>
    %add3A_112 = arith.addf %add3A_111, %mul3A_109 : vector<6x16000xf32>
    %mul3A_113 = arith.mulf %mul3A_80, %add3A_108 : vector<6x16000xf32>
    %add3A_114 = arith.constant -0.499995589 : f32
    %add3A_115 = vector.broadcast %add3A_114 : f32 to vector<6x16000xf32>
    %add3A_116 = arith.addf %add3A_115, %mul3A_113 : vector<6x16000xf32>
    %mul3A_117 = arith.mulf %mul3A_80, %add3A_112 : vector<6x16000xf32>
    %add3A_118 = arith.constant 0.99999994 : f32
    %add3A_119 = vector.broadcast %add3A_118 : f32 to vector<6x16000xf32>
    %add3A_120 = arith.addf %add3A_119, %mul3A_117 : vector<6x16000xf32>
    %mul3A_121 = arith.mulf %mul3A_80, %add3A_116 : vector<6x16000xf32>
    %add3A_122 = arith.constant 0.999999463 : f32
    %add3A_123 = vector.broadcast %add3A_122 : f32 to vector<6x16000xf32>
    %add3A_124 = arith.addf %add3A_123, %mul3A_121 : vector<6x16000xf32>
    %mul3A_125 = arith.mulf %sub3A_79, %add3A_120 : vector<6x16000xf32>
    %div3A_126 = arith.constant 1.000000e+00 : f32
    %div3A_127 = vector.broadcast %div3A_126 : f32 to vector<6x16000xf32>
    %div3A_128 = arith.divf %div3A_127, %mul3A_67 : vector<6x16000xf32>
    %mul3A_129 = arith.mulf %mul3A_125, %div3A_128 : vector<6x16000xf32>
    %sub3A_130 = arith.subf %mul3A_129, %add3A_124 : vector<6x16000xf32>
    %mul3A_131 = arith.mulf %sub3A_130, %div3A_128 : vector<6x16000xf32>
    %mul3A_132 = vector.broadcast %get3A_64 : vector<6x1xf32> to vector<6x16000xf32>
    %mul3A_133 = arith.mulf %mul3A_132, %mul3A_131 : vector<6x16000xf32>
    %get3A_134 = arith.constant 2 : index
    %get3A_135 = arith.constant 0 : index
    %get3A_136 = arith.constant 0 : index
    %get3A_137 = vector.load %arg4[%get3A_134, %get3A_135, %get3A_136] : memref<3x6x2xf32, #tpu.memory_space<vmem>>, vector<1x6x1xf32>
    %get3A_138 = vector.shape_cast %get3A_137 : vector<1x6x1xf32> to vector<6x1xf32>
    %get3A_139 = arith.constant 2 : index
    %get3A_140 = arith.constant 0 : index
    %get3A_141 = arith.constant 1 : index
    %get3A_142 = vector.load %arg4[%get3A_139, %get3A_140, %get3A_141] : memref<3x6x2xf32, #tpu.memory_space<vmem>>, vector<1x6x1xf32>
    %get3A_143 = vector.shape_cast %get3A_142 : vector<1x6x1xf32> to vector<6x1xf32>
    %mul3A_144 = vector.broadcast %get3A_138 : vector<6x1xf32> to vector<6x16000xf32>
    %mul3A_145 = vector.broadcast %mul3A_3 : vector<1x16000xf32> to vector<6x16000xf32>
    %mul3A_146 = arith.mulf %mul3A_144, %mul3A_145 : vector<6x16000xf32>
    %mul3A_147 = arith.constant 0.159154937 : f32
    %mul3A_148 = vector.broadcast %mul3A_147 : f32 to vector<6x16000xf32>
    %mul3A_149 = arith.mulf %mul3A_146, %mul3A_148 : vector<6x16000xf32>
    %round3A_150 = math.roundeven %mul3A_149 : vector<6x16000xf32>
    %mul3A_151 = arith.constant 6.281250e+00 : f32
    %mul3A_152 = vector.broadcast %mul3A_151 : f32 to vector<6x16000xf32>
    %mul3A_153 = arith.mulf %round3A_150, %mul3A_152 : vector<6x16000xf32>
    %sub3A_154 = arith.subf %mul3A_146, %mul3A_153 : vector<6x16000xf32>
    %mul3A_155 = arith.constant 0.00193530717 : f32
    %mul3A_156 = vector.broadcast %mul3A_155 : f32 to vector<6x16000xf32>
    %mul3A_157 = arith.mulf %round3A_150, %mul3A_156 : vector<6x16000xf32>
    %sub3A_158 = arith.subf %sub3A_154, %mul3A_157 : vector<6x16000xf32>
    %mul3A_159 = arith.mulf %sub3A_158, %sub3A_158 : vector<6x16000xf32>
    %mul3A_160 = arith.constant -2.08724416E-8 : f32
    %mul3A_161 = vector.broadcast %mul3A_160 : f32 to vector<6x16000xf32>
    %mul3A_162 = arith.mulf %mul3A_159, %mul3A_161 : vector<6x16000xf32>
    %add3A_163 = arith.constant 2.71279487E-6 : f32
    %add3A_164 = vector.broadcast %add3A_163 : f32 to vector<6x16000xf32>
    %add3A_165 = arith.addf %add3A_164, %mul3A_162 : vector<6x16000xf32>
    %mul3A_166 = arith.constant -2.21936943E-7 : f32
    %mul3A_167 = vector.broadcast %mul3A_166 : f32 to vector<6x16000xf32>
    %mul3A_168 = arith.mulf %mul3A_159, %mul3A_167 : vector<6x16000xf32>
    %add3A_169 = arith.constant 2.42531369E-5 : f32
    %add3A_170 = vector.broadcast %add3A_169 : f32 to vector<6x16000xf32>
    %add3A_171 = arith.addf %add3A_170, %mul3A_168 : vector<6x16000xf32>
    %mul3A_172 = arith.mulf %mul3A_159, %add3A_165 : vector<6x16000xf32>
    %add3A_173 = arith.constant -1.98207519E-4 : f32
    %add3A_174 = vector.broadcast %add3A_173 : f32 to vector<6x16000xf32>
    %add3A_175 = arith.addf %add3A_174, %mul3A_172 : vector<6x16000xf32>
    %mul3A_176 = arith.mulf %mul3A_159, %add3A_171 : vector<6x16000xf32>
    %add3A_177 = arith.constant -0.00138627435 : f32
    %add3A_178 = vector.broadcast %add3A_177 : f32 to vector<6x16000xf32>
    %add3A_179 = arith.addf %add3A_178, %mul3A_176 : vector<6x16000xf32>
    %mul3A_180 = arith.mulf %mul3A_159, %add3A_175 : vector<6x16000xf32>
    %add3A_181 = arith.constant 8.332890e-03 : f32
    %add3A_182 = vector.broadcast %add3A_181 : f32 to vector<6x16000xf32>
    %add3A_183 = arith.addf %add3A_182, %mul3A_180 : vector<6x16000xf32>
    %mul3A_184 = arith.mulf %mul3A_159, %add3A_179 : vector<6x16000xf32>
    %add3A_185 = arith.constant 0.0416610315 : f32
    %add3A_186 = vector.broadcast %add3A_185 : f32 to vector<6x16000xf32>
    %add3A_187 = arith.addf %add3A_186, %mul3A_184 : vector<6x16000xf32>
    %mul3A_188 = arith.mulf %mul3A_159, %add3A_183 : vector<6x16000xf32>
    %add3A_189 = arith.constant -0.166666314 : f32
    %add3A_190 = vector.broadcast %add3A_189 : f32 to vector<6x16000xf32>
    %add3A_191 = arith.addf %add3A_190, %mul3A_188 : vector<6x16000xf32>
    %mul3A_192 = arith.mulf %mul3A_159, %add3A_187 : vector<6x16000xf32>
    %add3A_193 = arith.constant -0.499995589 : f32
    %add3A_194 = vector.broadcast %add3A_193 : f32 to vector<6x16000xf32>
    %add3A_195 = arith.addf %add3A_194, %mul3A_192 : vector<6x16000xf32>
    %mul3A_196 = arith.mulf %mul3A_159, %add3A_191 : vector<6x16000xf32>
    %add3A_197 = arith.constant 0.99999994 : f32
    %add3A_198 = vector.broadcast %add3A_197 : f32 to vector<6x16000xf32>
    %add3A_199 = arith.addf %add3A_198, %mul3A_196 : vector<6x16000xf32>
    %mul3A_200 = arith.mulf %mul3A_159, %add3A_195 : vector<6x16000xf32>
    %add3A_201 = arith.constant 0.999999463 : f32
    %add3A_202 = vector.broadcast %add3A_201 : f32 to vector<6x16000xf32>
    %add3A_203 = arith.addf %add3A_202, %mul3A_200 : vector<6x16000xf32>
    %mul3A_204 = arith.mulf %sub3A_158, %add3A_199 : vector<6x16000xf32>
    %div3A_205 = arith.constant 1.000000e+00 : f32
    %div3A_206 = vector.broadcast %div3A_205 : f32 to vector<6x16000xf32>
    %div3A_207 = arith.divf %div3A_206, %mul3A_146 : vector<6x16000xf32>
    %mul3A_208 = arith.mulf %mul3A_204, %div3A_207 : vector<6x16000xf32>
    %mul3A_209 = arith.mulf %div3A_207, %div3A_207 : vector<6x16000xf32>
    %sub3A_210 = arith.subf %mul3A_208, %add3A_203 : vector<6x16000xf32>
    %mul3A_211 = arith.constant 3.000000e+00 : f32
    %mul3A_212 = vector.broadcast %mul3A_211 : f32 to vector<6x16000xf32>
    %mul3A_213 = arith.mulf %mul3A_212, %sub3A_210 : vector<6x16000xf32>
    %mul3A_214 = arith.mulf %mul3A_213, %mul3A_209 : vector<6x16000xf32>
    %sub3A_215 = arith.subf %mul3A_214, %mul3A_208 : vector<6x16000xf32>
    %mul3A_216 = vector.broadcast %get3A_143 : vector<6x1xf32> to vector<6x16000xf32>
    %mul3A_217 = arith.mulf %mul3A_216, %sub3A_215 : vector<6x16000xf32>
    %get3A_218 = arith.constant 0 : index
    %get3A_219 = arith.constant 0 : index
    %get3A_220 = vector.load %arg2[%get3A_218, %get3A_219] : memref<1x16000xf32, #tpu.memory_space<vmem>>, vector<1x16000xf32>
    %get3A_221 = arith.constant 0 : index
    %get3A_222 = arith.constant 0 : index
    %get3A_223 = vector.load %arg3[%get3A_221, %get3A_222] : memref<1x16000xf32, #tpu.memory_space<vmem>>, vector<1x16000xf32>
    %concatenate3A = tpu.concatenate %get3A_220, %get3A_223 in 0 : vector<1x16000xf32>, vector<1x16000xf32> -> vector<2x16000xf32>
    %mul3A_224 = arith.constant 0.159154937 : f32
    %mul3A_225 = vector.broadcast %mul3A_224 : f32 to vector<2x16000xf32>
    %mul3A_226 = arith.mulf %concatenate3A, %mul3A_225 : vector<2x16000xf32>
    %round3A_227 = math.roundeven %mul3A_226 : vector<2x16000xf32>
    %mul3A_228 = arith.constant 6.281250e+00 : f32
    %mul3A_229 = vector.broadcast %mul3A_228 : f32 to vector<2x16000xf32>
    %mul3A_230 = arith.mulf %round3A_227, %mul3A_229 : vector<2x16000xf32>
    %sub3A_231 = arith.subf %concatenate3A, %mul3A_230 : vector<2x16000xf32>
    %mul3A_232 = arith.constant 0.00193530717 : f32
    %mul3A_233 = vector.broadcast %mul3A_232 : f32 to vector<2x16000xf32>
    %mul3A_234 = arith.mulf %round3A_227, %mul3A_233 : vector<2x16000xf32>
    %sub3A_235 = arith.subf %sub3A_231, %mul3A_234 : vector<2x16000xf32>
    %mul3A_236 = arith.mulf %sub3A_235, %sub3A_235 : vector<2x16000xf32>
    %mul3A_237 = arith.constant -2.08724416E-8 : f32
    %mul3A_238 = vector.broadcast %mul3A_237 : f32 to vector<2x16000xf32>
    %mul3A_239 = arith.mulf %mul3A_236, %mul3A_238 : vector<2x16000xf32>
    %add3A_240 = arith.constant 2.71279487E-6 : f32
    %add3A_241 = vector.broadcast %add3A_240 : f32 to vector<2x16000xf32>
    %add3A_242 = arith.addf %add3A_241, %mul3A_239 : vector<2x16000xf32>
    %mul3A_243 = arith.constant -2.21936943E-7 : f32
    %mul3A_244 = vector.broadcast %mul3A_243 : f32 to vector<2x16000xf32>
    %mul3A_245 = arith.mulf %mul3A_236, %mul3A_244 : vector<2x16000xf32>
    %add3A_246 = arith.constant 2.42531369E-5 : f32
    %add3A_247 = vector.broadcast %add3A_246 : f32 to vector<2x16000xf32>
    %add3A_248 = arith.addf %add3A_247, %mul3A_245 : vector<2x16000xf32>
    %mul3A_249 = arith.mulf %mul3A_236, %add3A_242 : vector<2x16000xf32>
    %add3A_250 = arith.constant -1.98207519E-4 : f32
    %add3A_251 = vector.broadcast %add3A_250 : f32 to vector<2x16000xf32>
    %add3A_252 = arith.addf %add3A_251, %mul3A_249 : vector<2x16000xf32>
    %mul3A_253 = arith.mulf %mul3A_236, %add3A_248 : vector<2x16000xf32>
    %add3A_254 = arith.constant -0.00138627435 : f32
    %add3A_255 = vector.broadcast %add3A_254 : f32 to vector<2x16000xf32>
    %add3A_256 = arith.addf %add3A_255, %mul3A_253 : vector<2x16000xf32>
    %mul3A_257 = arith.mulf %mul3A_236, %add3A_252 : vector<2x16000xf32>
    %add3A_258 = arith.constant 8.332890e-03 : f32
    %add3A_259 = vector.broadcast %add3A_258 : f32 to vector<2x16000xf32>
    %add3A_260 = arith.addf %add3A_259, %mul3A_257 : vector<2x16000xf32>
    %mul3A_261 = arith.mulf %mul3A_236, %add3A_256 : vector<2x16000xf32>
    %add3A_262 = arith.constant 0.0416610315 : f32
    %add3A_263 = vector.broadcast %add3A_262 : f32 to vector<2x16000xf32>
    %add3A_264 = arith.addf %add3A_263, %mul3A_261 : vector<2x16000xf32>
    %mul3A_265 = arith.mulf %mul3A_236, %add3A_260 : vector<2x16000xf32>
    %add3A_266 = arith.constant -0.166666314 : f32
    %add3A_267 = vector.broadcast %add3A_266 : f32 to vector<2x16000xf32>
    %add3A_268 = arith.addf %add3A_267, %mul3A_265 : vector<2x16000xf32>
    %mul3A_269 = arith.mulf %mul3A_236, %add3A_264 : vector<2x16000xf32>
    %add3A_270 = arith.constant -0.499995589 : f32
    %add3A_271 = vector.broadcast %add3A_270 : f32 to vector<2x16000xf32>
    %add3A_272 = arith.addf %add3A_271, %mul3A_269 : vector<2x16000xf32>
    %mul3A_273 = arith.mulf %mul3A_236, %add3A_268 : vector<2x16000xf32>
    %add3A_274 = arith.constant 0.99999994 : f32
    %add3A_275 = vector.broadcast %add3A_274 : f32 to vector<2x16000xf32>
    %add3A_276 = arith.addf %add3A_275, %mul3A_273 : vector<2x16000xf32>
    %mul3A_277 = arith.mulf %mul3A_236, %add3A_272 : vector<2x16000xf32>
    %add3A_278 = arith.constant 0.999999463 : f32
    %add3A_279 = vector.broadcast %add3A_278 : f32 to vector<2x16000xf32>
    %add3A_280 = arith.addf %add3A_279, %mul3A_277 : vector<2x16000xf32>
    %mul3A_281 = arith.mulf %sub3A_235, %add3A_276 : vector<2x16000xf32>
    %slice3A = vector.extract_strided_slice %mul3A_281 {offsets = [0, 0], sizes = [1, 16000], strides = [1, 1]} : vector<2x16000xf32> to vector<1x16000xf32>
    %slice3A_282 = vector.extract_strided_slice %mul3A_281 {offsets = [1, 0], sizes = [1, 16000], strides = [1, 1]} : vector<2x16000xf32> to vector<1x16000xf32>
    %slice3A_283 = vector.extract_strided_slice %add3A_280 {offsets = [0, 0], sizes = [1, 16000], strides = [1, 1]} : vector<2x16000xf32> to vector<1x16000xf32>
    %slice3A_284 = vector.extract_strided_slice %add3A_280 {offsets = [1, 0], sizes = [1, 16000], strides = [1, 1]} : vector<2x16000xf32> to vector<1x16000xf32>
    %mul3A_285 = arith.constant 0.488602519 : f32
    %mul3A_286 = vector.broadcast %mul3A_285 : f32 to vector<1x16000xf32>
    %mul3A_287 = arith.mulf %mul3A_286, %slice3A_283 : vector<1x16000xf32>
    %mul3A_288 = arith.constant -0.488602519 : f32
    %mul3A_289 = vector.broadcast %mul3A_288 : f32 to vector<1x16000xf32>
    %mul3A_290 = arith.mulf %mul3A_289, %slice3A : vector<1x16000xf32>
    %mul3A_291 = arith.mulf %mul3A_290, %slice3A_284 : vector<1x16000xf32>
    %mul3A_292 = arith.constant -0.488602519 : f32
    %mul3A_293 = vector.broadcast %mul3A_292 : f32 to vector<1x16000xf32>
    %mul3A_294 = arith.mulf %mul3A_293, %slice3A : vector<1x16000xf32>
    %mul3A_295 = arith.mulf %mul3A_294, %slice3A_282 : vector<1x16000xf32>
    %mul3A_296 = arith.constant 3.000000e+00 : f32
    %mul3A_297 = vector.broadcast %mul3A_296 : f32 to vector<1x16000xf32>
    %mul3A_298 = arith.mulf %mul3A_297, %slice3A_283 : vector<1x16000xf32>
    %mul3A_299 = arith.mulf %mul3A_298, %slice3A_283 : vector<1x16000xf32>
    %sub3A_300 = arith.constant 1.000000e+00 : f32
    %sub3A_301 = vector.broadcast %sub3A_300 : f32 to vector<1x16000xf32>
    %sub3A_302 = arith.subf %mul3A_299, %sub3A_301 : vector<1x16000xf32>
    %mul3A_303 = arith.constant 0.31539157 : f32
    %mul3A_304 = vector.broadcast %mul3A_303 : f32 to vector<1x16000xf32>
    %mul3A_305 = arith.mulf %mul3A_304, %sub3A_302 : vector<1x16000xf32>
    %mul3A_306 = arith.constant -1.09254849 : f32
    %mul3A_307 = vector.broadcast %mul3A_306 : f32 to vector<1x16000xf32>
    %mul3A_308 = arith.mulf %mul3A_307, %slice3A : vector<1x16000xf32>
    %mul3A_309 = arith.mulf %mul3A_308, %slice3A_283 : vector<1x16000xf32>
    %mul3A_310 = arith.mulf %mul3A_309, %slice3A_284 : vector<1x16000xf32>
    %mul3A_311 = arith.constant 0.546274245 : f32
    %mul3A_312 = vector.broadcast %mul3A_311 : f32 to vector<1x16000xf32>
    %mul3A_313 = arith.mulf %mul3A_312, %slice3A : vector<1x16000xf32>
    %mul3A_314 = arith.mulf %mul3A_313, %slice3A : vector<1x16000xf32>
    %mul3A_315 = arith.mulf %slice3A_284, %slice3A_284 : vector<1x16000xf32>
    %mul3A_316 = arith.mulf %slice3A_282, %slice3A_282 : vector<1x16000xf32>
    %sub3A_317 = arith.subf %mul3A_315, %mul3A_316 : vector<1x16000xf32>
    %mul3A_318 = arith.mulf %mul3A_314, %sub3A_317 : vector<1x16000xf32>
    %mul3A_319 = arith.constant 0.546274245 : f32
    %mul3A_320 = vector.broadcast %mul3A_319 : f32 to vector<1x16000xf32>
    %mul3A_321 = arith.mulf %mul3A_320, %slice3A : vector<1x16000xf32>
    %mul3A_322 = arith.mulf %mul3A_321, %slice3A : vector<1x16000xf32>
    %mul3A_323 = arith.constant 2.000000e+00 : f32
    %mul3A_324 = vector.broadcast %mul3A_323 : f32 to vector<1x16000xf32>
    %mul3A_325 = arith.mulf %mul3A_324, %slice3A_282 : vector<1x16000xf32>
    %mul3A_326 = arith.mulf %mul3A_325, %slice3A_284 : vector<1x16000xf32>
    %mul3A_327 = arith.mulf %mul3A_322, %mul3A_326 : vector<1x16000xf32>
    %mul3A_328 = arith.constant -1.09254849 : f32
    %mul3A_329 = vector.broadcast %mul3A_328 : f32 to vector<1x16000xf32>
    %mul3A_330 = arith.mulf %mul3A_329, %slice3A : vector<1x16000xf32>
    %mul3A_331 = arith.mulf %mul3A_330, %slice3A_283 : vector<1x16000xf32>
    %mul3A_332 = arith.mulf %mul3A_331, %slice3A_282 : vector<1x16000xf32>
    %broadcast_in_dim3A = arith.constant 0.282094806 : f32
    %broadcast_in_dim3A_333 = vector.broadcast %broadcast_in_dim3A : f32 to vector<1x16000xf32>
    %mul3A_334 = vector.broadcast %broadcast_in_dim3A_333 : vector<1x16000xf32> to vector<6x16000xf32>
    %mul3A_335 = arith.mulf %mul3A_334, %mul3A_54 : vector<6x16000xf32>
    %mul3A_336 = vector.broadcast %mul3A_287 : vector<1x16000xf32> to vector<6x16000xf32>
    %mul3A_337 = arith.mulf %mul3A_336, %mul3A_133 : vector<6x16000xf32>
    %mul3A_338 = vector.broadcast %mul3A_291 : vector<1x16000xf32> to vector<6x16000xf32>
    %mul3A_339 = arith.mulf %mul3A_338, %mul3A_217 : vector<6x16000xf32>
    %mul3A_340 = vector.broadcast %mul3A_295 : vector<1x16000xf32> to vector<6x16000xf32>
    %mul3A_341 = arith.mulf %mul3A_340, %mul3A_54 : vector<6x16000xf32>
    %mul3A_342 = vector.broadcast %mul3A_305 : vector<1x16000xf32> to vector<6x16000xf32>
    %mul3A_343 = arith.mulf %mul3A_342, %mul3A_133 : vector<6x16000xf32>
    %mul3A_344 = vector.broadcast %mul3A_310 : vector<1x16000xf32> to vector<6x16000xf32>
    %mul3A_345 = arith.mulf %mul3A_344, %mul3A_217 : vector<6x16000xf32>
    %mul3A_346 = vector.broadcast %mul3A_318 : vector<1x16000xf32> to vector<6x16000xf32>
    %mul3A_347 = arith.mulf %mul3A_346, %mul3A_54 : vector<6x16000xf32>
    %mul3A_348 = vector.broadcast %mul3A_327 : vector<1x16000xf32> to vector<6x16000xf32>
    %mul3A_349 = arith.mulf %mul3A_348, %mul3A_133 : vector<6x16000xf32>
    %mul3A_350 = vector.broadcast %mul3A_332 : vector<1x16000xf32> to vector<6x16000xf32>
    %mul3A_351 = arith.mulf %mul3A_350, %mul3A_217 : vector<6x16000xf32>
    %concatenate3A_352 = tpu.concatenate %mul3A_335, %mul3A_337, %mul3A_339, %mul3A_341, %mul3A_343, %mul3A_345, %mul3A_347, %mul3A_349, %mul3A_351 in 0 : vector<6x16000xf32>, vector<6x16000xf32>, vector<6x16000xf32>, vector<6x16000xf32>, vector<6x16000xf32>, vector<6x16000xf32>, vector<6x16000xf32>, vector<6x16000xf32>, vector<6x16000xf32> -> vector<54x16000xf32>
    %transpose3A = tpu.transpose %concatenate3A_352, [1, 0] : vector<54x16000xf32> -> vector<16000x54xf32>
    %swap3A = arith.constant 0 : index
    %swap3A_353 = arith.constant 0 : index
    %swap3A_354 = vector.load %arg5[%swap3A, %swap3A_353] : memref<16000x54xf32, #tpu.memory_space<vmem>>, vector<16000x54xf32>
    tpu.vector_store %arg5[%swap3A, %swap3A_353], %transpose3A {strides = array<i32>} : memref<16000x54xf32, #tpu.memory_space<vmem>>, vector<16000x54xf32>,
    return
  }
  func.func @transform_0(%arg0: i32) -> (i32, i32) {
    %c0_i32 = arith.constant 0 : i32
    %c0_i32_0 = arith.constant 0 : i32
    return %c0_i32, %arg0 : i32, i32
  }
  func.func @transform_1(%arg0: i32) -> (i32, i32) {
    %c0_i32 = arith.constant 0 : i32
    %c0_i32_0 = arith.constant 0 : i32
    return %c0_i32, %arg0 : i32, i32
  }
  func.func @transform_2(%arg0: i32) -> (i32, i32) {
    %c0_i32 = arith.constant 0 : i32
    %c0_i32_0 = arith.constant 0 : i32
    return %c0_i32, %arg0 : i32, i32
  }
  func.func @transform_3(%arg0: i32) -> (i32, i32, i32) {
    %c0_i32 = arith.constant 0 : i32
    %c0_i32_0 = arith.constant 0 : i32
    %c0_i32_1 = arith.constant 0 : i32
    %c0_i32_2 = arith.constant 0 : i32
    return %c0_i32, %c0_i32_0, %c0_i32_1 : i32, i32, i32
  }
  func.func @transform_4(%arg0: i32) -> (i32, i32) {
    %c0_i32 = arith.constant 0 : i32
    %c0_i32_0 = arith.constant 0 : i32
    return %arg0, %c0_i32 : i32, i32
  }
}

</mosaic_0001>

<sc_bundles>
// kernel: kernel.4.cloned.1.call-start
scs
__scs_entry_jumppad:
0x0: {  	(pc) =	sbr.rel $0x88, $3  }
0x1: {  	(tag) =	ssettag $0x0;
	lr =	simm.s32 $0x1  }
0x2: {  	[smem:$0x3F9D] =	sst lr;
	_ =	strace $0xD0000000  }
0x3: {  	_ = 	snop  }
0x4: {  	_ = 	snop  }
0x5: {  	_ = 	snop  }
0x6: {  	_ = 	snop  }
0x7: {  	_ = 	snop  }
__scs_overlays_trampoline_lowered:
0x8: {  	[smem:$0x3FAC] =	sst s0  }
0x9: {  	[smem:$0x3FAD] =	sst s1  }
0xa: {  	[smem:$0x3FAE] =	sst s2  }
0xb: {  	[smem:$0x3FAF] =	sst s3  }
0xc: {  	[smem:$0x3FB0] =	sst s4  }
0xd: {  	[smem:$0x3FB1] =	sst s5  }
0xe: {  	[smem:$0x3FB2] =	sst s6  }
0xf: {  	[smem:$0x3FB3] =	sst s7  }
0x10: {  	[smem:$0x3FB4] =	sst s8  }
0x11: {  	[smem:$0x3FB5] =	sst s9;
	s0 =	simm.s32 @!p0 $0x0  }
0x12: {  	s1 =	sld [smem:$0x3F9B];
	s0 =	simm.s32 @p0 $0x1  }
0x13: {  	[smem:$0x3FB6] =	sst s0;
	s0 =	simm.s32 @!p1 $0x0  }
0x14: {  	s2 =	sld [smem:$0x3F9A];
	s0 =	simm.s32 @p1 $0x1  }
0x15: {  	[smem:$0x3FB7] =	sst s0;
	s0 =	simm.s32 @!p2 $0x0  }
0x16: {  	s3 =	sld [smem:$0x3FDB];
	s0 =	simm.s32 @p2 $0x1  }
0x17: {  	s4 =	simm.s32 $0x1BF5;
	[smem:$0x3FB9] =	sst s0  }
0x18: {  	s0 =	sld [smem:$0x3F9C];
	_ =	swait.ge [sflag:s4], $0x0  }
0x19: {  	s7 =	sld [smem:$0x3F9D]  }
0x1a: {  	s8 =	sadd.s32 $0xFFFFE003, lr  }
0x1b: {  	s9 =	sadd.s32 $0xFFFFFEF7, lr;
	s5 =	simm.s32 $0xFFFFFFFF;
	p2 =	slt.u32 s8, $0xFFFFF086  }
0x1c: {  	p1 =	slt.u32 s9, $0xF7A;
	s5 =	simm.s32 @!p2 $0x0  }
0x1d: {  	s5 =	simm.s32 @p1 $0x1;
	p0 =	seq.s32 s7, s2  }
0x1e: {  	s7 =	smul.u32 @!p0 $0xF7A, s2;
	p2 =	seq.s32 @!p0 s5, $0x0  }
0x1f: {  	s9 =	smul.u32 $0xF7A, s1;
	s8 =	simm.s32 @!p0 $0x1BF5;
	p2 =	por !p2, p0  }
0x20: {  	[sflag:s8] =	ssyncset.s32 @!p0 $0xFFFFF086;
	s6 =	sadd.s32 @!p0 s3, s7;
	s7 =	simm.s32 @!p0 $0x108  }
0x21: {  	s3 =	sadd.s32 s3, s9;
	s6 =	sadd.s32 @!p0 $0x88, s6;
	s7 =	simm.s32 @p2 $0x1082  }
0x22: {  	[simem:s7], [sflag:s8] =	dma.local @!p0 [hbm:s6], $0xF7A  }
0x23: {  	s9 =	sor.u32 $0xD0000000, s2;
	s6 =	simm.s32 $0x108;
	_ =	swait.ge @!p0 [sflag:s8], $0x0  }
0x24: {  	s3 =	sadd.s32 $0x88, s3;
	s6 =	simm.s32 @!p1 $0x1082;
	[sflag:s4] =	ssyncset.s32 $0xFFFFF086  }
0x25: {  	[simem:s6], [sflag:s4] =	dma.local [hbm:s3], $0xF7A  }
0x26: {  	[smem:$0x3F9D] =	sst s1;
	(tag) =	ssettag s2;
	_ =	strace s9  }
0x27: {  	s1 =	sld [smem:$0x3FAD]  }
0x28: {  	s2 =	sld [smem:$0x3FAE]  }
0x29: {  	s4 =	sld [smem:$0x3FB0]  }
0x2a: {  	p0 =	seq.s32 s5, $0x0;
	s5 =	sld [smem:$0x3FB1]  }
0x2b: {  	s6 =	sld [smem:$0x3FB2]  }
0x2c: {  	s7 =	sld [smem:$0x3FB3]  }
0x2d: {  	s3 =	simm.s32 $0x108;
	s8 =	sld [smem:$0x3FB4]  }
0x2e: {  	s3 =	simm.s32 @!p0 $0x1082;
	s9 =	sld [smem:$0x3FB5]  }
0x2f: {  	lr =	sadd.s32 s0, s3;
	s0 =	sld [smem:$0x3FAC]  }
0x30: {  	s3 =	sld [smem:$0x3FAF]  }
0x31: {  	[smem:$0x3FB8] =	sst s10  }
0x32: {  	s10 =	sld [smem:$0x3FB6];
	_ =	sdelay $0x3  }
0x33: {  	p0 =	seq.s32 s10, $0x1;
	s10 =	sld [smem:$0x3FB8];
	_ =	sdelay $0x3  }
0x34: {  	[smem:$0x3FB8] =	sst s10  }
0x35: {  	s10 =	sld [smem:$0x3FB7];
	_ =	sdelay $0x3  }
0x36: {  	p1 =	seq.s32 s10, $0x1;
	s10 =	sld [smem:$0x3FB8];
	_ =	sdelay $0x3  }
0x37: {  	[smem:$0x3FB8] =	sst s10  }
0x38: {  	s10 =	sld [smem:$0x3FB9]  }
0x39: {  	_ = 	snop;
	(pc) =	sbr.ind lr, $3  }
0x3a: {  	_ = 	snop  }
0x3b: {  	_ = 	snop  }
0x3c: {  	p2 =	seq.s32 s10, $0x1;
	s10 =	sld [smem:$0x3FB8]  }
0x3d: {  	_ =	shalt  }
0x3e: {  	_ =	shalt  }
0x3f: {  	_ =	shalt  }
0x40: {  	_ =	shalt  }
0x41: {  	_ =	shalt  }
0x42: {  	_ =	shalt  }
0x43: {  	_ =	shalt  }
0x44: {  	_ =	shalt  }
0x45: {  	_ =	shalt  }
0x46: {  	_ =	shalt  }
0x47: {  	_ =	shalt  }
0x48: {  	_ =	shalt  }
0x49: {  	_ =	shalt  }
0x4a: {  	_ =	shalt  }
0x4b: {  	_ =	shalt  }
0x4c: {  	_ =	shalt  }
0x4d: {  	_ =	shalt  }
0x4e: {  	_ =	shalt  }
0x4f: {  	_ =	shalt  }
0x50: {  	_ =	shalt  }
0x51: {  	_ =	shalt  }
0x52: {  	_ =	shalt  }
0x53: {  	_ =	shalt  }
0x54: {  	_ =	shalt  }
0x55: {  	_ =	shalt  }
0x56: {  	_ =	shalt  }
0x57: {  	_ =	shalt  }
0x58: {  	_ =	shalt  }
0x59: {  	_ =	shalt  }
0x5a: {  	_ =	shalt  }
0x5b: {  	_ =	shalt  }
0x5c: {  	_ =	shalt  }
0x5d: {  	_ =	shalt  }
0x5e: {  	_ =	shalt  }
0x5f: {  	_ =	shalt  }
0x60: {  	_ =	shalt  }
0x61: {  	_ =	shalt  }
0x62: {  	_ =	shalt  }
0x63: {  	_ =	shalt  }
0x64: {  	_ =	shalt  }
0x65: {  	_ =	shalt  }
0x66: {  	_ =	shalt  }
0x67: {  	_ =	shalt  }
0x68: {  	_ =	shalt  }
0x69: {  	_ =	shalt  }
0x6a: {  	_ =	shalt  }
0x6b: {  	_ =	shalt  }
0x6c: {  	_ =	shalt  }
0x6d: {  	_ =	shalt  }
0x6e: {  	_ =	shalt  }
0x6f: {  	_ =	shalt  }
0x70: {  	_ =	shalt  }
0x71: {  	_ =	shalt  }
0x72: {  	_ =	shalt  }
0x73: {  	_ =	shalt  }
0x74: {  	_ =	shalt  }
0x75: {  	_ =	shalt  }
0x76: {  	_ =	shalt  }
0x77: {  	_ =	shalt  }
0x78: {  	_ =	shalt  }
0x79: {  	_ =	shalt  }
0x7a: {  	_ =	shalt  }
0x7b: {  	_ =	shalt  }
0x7c: {  	_ =	shalt  }
0x7d: {  	_ =	shalt  }
0x7e: {  	_ =	shalt  }
0x7f: {  	_ =	shalt  }
0x80: {  	_ =	shalt  }
0x81: {  	_ =	shalt  }
0x82: {  	_ =	shalt  }
0x83: {  	_ =	shalt  }
0x84: {  	_ =	shalt  }
0x85: {  	_ =	shalt  }
0x86: {  	_ =	shalt  }
0x87: {  	_ =	shalt  }
.Lfunc_end0:
.L_simem_size_0:
called_computation_lowered:
.L_overlay_start_0:
0x88: {  	s2 =	sld [smem:$0x3FD9]  }
0x89: {  	s3 =	sld [smem:$0x3FFE];
	_ =	sdelay $0x1  }
0x8a: {  	s1 =	srdreg.scid  }
0x8b: {  	s0 =	sand.u32 $0x1, s1  }
0x8c: {  	s18 =	sshll.u32 s0, $0xA;
	s2 =	sadd.s32 s3, s2  }
0x8d: {  	s2 =	sadd.s32 s2, s18  }
0x8e: {  	[smem:$0x3FC4] =	sst s2  }
0x8f: {  	_ = 	snop  }
0x90: {  	s2 =	sld [smem:$0x3FC9]  }
0x91: {  	s19 =	sld [smem:$0x3FC6]  }
0x92: {  	s4 =	sld [smem:$0x3FD0];
	(tm) =	ssettm $0x1  }
0x93: {  	s5 =	sld [smem:$0x3FFB];
	_ =	sdelay $0x3  }
0x94: {  	_ =	strace s5  }
0x95: {  	s5 =	sld [smem:$0x3FFC];
	_ =	sdelay $0x3  }
0x96: {  	_ =	strace s5  }
0x97: {  	s5 =	sld [smem:$0x3FFD];
	_ =	sdelay $0x3  }
0x98: {  	_ =	strace s5  }
0x99: {  	_ =	strace $0x8FFFFFFF  }
0x9a: {  	s20 =	sld [smem:$0x3FDB];
	_ =	sdelay $0x1  }
0x9b: {  	s6 =	simm.s32 $_scs_section_size  }
0x9c: {  	s7 =	simm.s32 $_size__tile_overlayer_lowered;
	s8 =	simm.s32 $_tile_overlayer_lowered  }
0x9d: {  	s23 =	simm.s32 $0x1BFF;
	s22 =	sshll.u32 s8, $0x1;
	s5 =	sadd.s32 s6, s20  }
0x9e: {  	s9 =	simm.s32 $0x0;
	s21 =	sshll.u32 s7, $0x1;
	s7 =	sadd.s32 s22, s5  }
0x9f: {  	[timem:s9], [sflag:s23] =	dma.local [hbm:s7], s21  }
0xa0: {  	_ =	swait.ge [sflag:s23], s21  }
0xa1: {  	s6 =	ssub.s32 $0x0, s21;
	[sflag:s23] =	ssyncset.done $0x0  }
0xa2: {  	[sflag:s23] =	ssyncadd.s32 s6;
	_ =	sdelay $0x1  }
0xa3: {  	s24 =	simm.s32 $0x1B8B  }
0xa4: {  	_ =	swait.ge [sflag:s24], $0x1  }
0xa5: {  	[sflag:s24] =	ssyncset.done $0x0  }
0xa6: {  	s25 =	simm.s32 $0x1B8E;
	[sflag:s24] =	ssyncadd.s32 $0xFFFFFFFF  }
0xa7: {  	s26 =	simm.s32 $execute0_lowered;
	[smem:$0x3FD2] =	sst s25  }
0xa8: {  	s6 =	sshll.u32 s26, $0x1;
	_ =	strace $0x80000046;
	[dreg:$0x1] =	wrdreg $0xFFFFFFFF  }
0xa9: {  	s28 =	simm.s32 $_size_execute0_lowered;
	s5 =	sadd.s32 s5, s6;
	[dreg:$0x0] =	wrdreg $0x0  }
0xaa: {  	s6 =	sshll.u32 s28, $0x1;
	[dreg:$0x2] =	wrdreg s5  }
0xab: {  	[dreg:$0x3] =	wrdreg s6  }
0xac: {  	[dreg:$0x4] =	wrdreg $0xC0  }
0xad: {  	_ =	task [dreg:s9], $0x5FFFF  }
0xae: {  	[dreg:$0x1] =	wrdreg $0xFFFFFFFF  }
0xaf: {  	[dreg:$0x0] =	wrdreg $0x60  }
0xb0: {  	[dreg:$0x2] =	wrdreg s2  }
0xb1: {  	[dreg:$0x3] =	wrdreg s19  }
0xb2: {  	[dreg:$0x4] =	wrdreg s4  }
0xb3: {  	[dreg:$0x5] =	wrdreg $0x9  }
0xb4: {  	_ =	task.clear_ibuf [dreg:s9], $0x6FFFF;
	_ =	strace $0x90000046  }
0xb5: {  	s29 =	simm.s32 $0x9;
	_ =	strace $0x80000048  }
0xb6: {  	_ =	swait.ge [sflag:s29], $0x1  }
0xb7: {  	[sflag:s29] =	ssyncadd.s32 $0xFFFFFFFF  }
0xb8: {  	_ =	strace $0x90000048  }
0xb9: {  	_ =	sfence  }
0xba: {  	s30 =	sld [smem:$0x0];
	_ =	sdelay $0x2  }
0xbb: {  	s31 =	sshll.u32 s1, $0xD;
	s1 =	sshrl.u32 s1, $0x2  }
0xbc: {  	s3 =	sand.u32 $0x4000, s31;
	s1 =	sadd.s32 s1, s30  }
0xbd: {  	s0 =	sor.u32 s3, s0;
	s1 =	sshll.u32 s1, $0x11  }
0xbe: {  	s0 =	sor.u32 s1, s0  }
0xbf: {  	s0 =	sadd.s32 $0x8F2B, s0  }
0xc0: {  	[sflag:s0] =	ssyncadd.remote.s32 $0x1  }
0xc1: {  	_ =	sfence.sel $0xFFFF  }
0xc2: {  	[dreg:$0x0] =	wrdreg $0xFFFFFFFF;
	(pc) =	sbr.abs _section_cstart, $3  }
0xc3: {  	[dreg:$0x1] =	wrdreg $0xFFFFFFFF  }
0xc4: {  	_ =	task.clear_ibuf [dreg:s9], $0x2FFFF;
	_ =	strace $0x9FFFFFFF  }
0xc5: {  	(tm) =	ssettm $0x7FFFFFFF  }
tec
execute0_lowered:
.L_overlay_start_1:
0x0: {  	(tag) =	ssettag $0x1  }
0x1: {  	s1 =	rddreg [dreg:$0x0]  }
0x2: {  	s2 =	srdreg.scid;
	s0 =	stileid.u32  }
0x3: {  	s4 =	rddreg [dreg:$0x1];
	s6 =	sand.u32 $0x1, s2;
	s30 =	sshll.u32 s0, $0x1  }
0x4: {  	s9 =	rddreg [dreg:$0x2];
	s3 =	simm.s32 $0x0;
	s5 =	sor.u32 s6, s30  }
0x5: {  	[smem:$0x7FF] =	sst s3;
	s10 =	smul.u32 $0xC35, s5  }
0x6: {  	s2 =	rddreg [dreg:$0x3];
	_ =	strace $0x80000047  }
0x7: {  	s11 =	ssub.s32 $0x2, s6;
	s5 =	sadd.s32 s4, s10;
	s4 =	simm.s32 $0x2  }
0x8: {  	[tilespmem:s3], [sflag:$0x2] =	stream.linear.gather [hbm4b:s5+s3], $0x61A8, $0x38;
	[tilespmem:$0xC400] =	vst v63  }
0x9: {  	s7 =	simm.s32 $0x6200;
	s12 =	sshrl.u32 s11, $0x1;
	_ =	swait.ge [sflag:s4], $0x61A8  }
0xa: {  	s8 =	simm.s32 $0x1;
	s11 =	ssub.s32 s11, s12;
	[sflag:s4] =	ssyncset.done $0x0  }
0xb: {  	s6 =	simm.s32 $0x61A8;
	s31 =	smax.u32 s11, $0x1;
	[sflag:s4] =	ssyncadd.s32 $0xFFFF9E58  }
0xc: {  	[tilespmem:s7], [sflag:$0x1] =	stream.indirect.gather [hbm4b:s1+s6], $0x1, s3, s6, $0xb8;
	[tilespmem:$0xC400] =	vst v63  }
0xd: {  	p0 =	sne.s32 s31, $0x1;
	_ =	swait.ge [sflag:s8], $0x61A8  }
.Ltmp0:
0xe: {  	[sflag:s8] =	ssyncset.done $0x0;
	(pc) =	sbr.rel @!p0 .LBB2_2-.Ltmp0, $4  }
0xf: {  	s9 =	sadd.s32 s9, s10;
	[sflag:s8] =	ssyncadd.s32 $0xFFFF9E58  }
0x10: {  	[hbm4b:s9+s3] =	stream.linear.scatter [tilespmem:s7], [sflag:$0x2], $0x61A8, $0x38;
	[tilespmem:$0xC400] =	vst v63  }
0x11: {  	_ =	swait.ge [sflag:s4], $0x61A8  }
0x12: {  	s10 =	sadd.s32 $0xFFFFFFFF, s31;
	[sflag:s4] =	ssyncset.done $0x0  }
.LBB2_1:
0x13: {  	p0 =	sne.s32 s10, $0x1;
	s10 =	sadd.s32 $0xFFFFFFFF, s10;
	[sflag:s4] =	ssyncadd.s32 $0xFFFF9E58  }
0x14: {  	[tilespmem:s3], [sflag:$0x2] =	stream.linear.gather [hbm4b:s5+s3], $0x61A8, $0x38;
	[tilespmem:$0xC400] =	vst v63  }
0x15: {  	_ =	swait.ge [sflag:s4], $0x61A8  }
0x16: {  	[sflag:s4] =	ssyncset.done $0x0  }
0x17: {  	[sflag:s4] =	ssyncadd.s32 $0xFFFF9E58  }
0x18: {  	[tilespmem:s7], [sflag:$0x1] =	stream.indirect.gather [hbm4b:s1+s6], $0x1, s3, s6, $0xb8;
	[tilespmem:$0xC400] =	vst v63  }
0x19: {  	_ =	swait.ge [sflag:s8], $0x61A8  }
.Ltmp1:
0x1a: {  	[sflag:s8] =	ssyncset.done $0x0;
	(pc) =	sbr.rel @p0 .LBB2_1-.Ltmp1, $4  }
0x1b: {  	[sflag:s8] =	ssyncadd.s32 $0xFFFF9E58  }
0x1c: {  	[hbm4b:s9+s3] =	stream.linear.scatter [tilespmem:s7], [sflag:$0x2], $0x61A8, $0x38;
	[tilespmem:$0xC400] =	vst v63  }
0x1d: {  	_ =	swait.ge [sflag:s4], $0x61A8  }
0x1e: {  	[sflag:s4] =	ssyncset.done $0x0  }
.LBB2_2:
0x1f: {  	[sflag:s4] =	ssyncadd.s32 $0xFFFF9E58  }
0x20: {  	_ =	sfence.sel $0x180000  }
0x21: {  	[bflag:$0x0] =	sbarrier.arrive $0xFFFF  }
0x22: {  	p0 =	sne.s32 s0, $0x0;
	_ =	strace $0x90000047  }
0x23: {  	s0 =	sadd.s32 @!p0 $0x100000, s2;
	[bflag:$0x2] =	sbarrier.arrive $0xFFFF  }
0x24: {  	[sflag:s0] =	ssyncadd.tile.s32 @!p0 $0x1;
	_ =	shalt  }
.Lfunc_end2:
_tile_overlayer_lowered:
.L_overlay_start_2:
0x25: {  	(tag) =	ssettag $0x2  }
0x26: {  	s0 =	rddreg [dreg:$0x0];
	s2 =	stileid.u32  }
0x27: {  	s1 =	rddreg [dreg:$0x1];
	p0 =	sne.s32 s2, $0x0  }
0x28: {  	s3 =	rddreg [dreg:$0x2];
	[bflag:$0x3] =	sbarrier.arrive $0xFFFF;
	s2 =	simm.s32 @!p0 $0x1C02  }
0x29: {  	[timem:s3], [sflag:s2] =	dma.local @!p0 [hbm:s0], s1  }
0x2a: {  	s0 =	simm.s32 @!p0 $0x2  }
0x2b: {  	_ =	swait.ge @!p0 [sflag:s0], s1  }
0x2c: {  	s1 =	ssub.s32 @!p0 $0x0, s1;
	[sflag:s0] =	ssyncset.done @!p0 $0x0  }
0x2d: {  	[sflag:s0] =	ssyncadd.s32 @!p0 s1  }
0x2e: {  	[bflag:$0x3] =	sbarrier.arrive $0xFFFF  }
0x2f: {  	_ =	shalt  }

</sc_bundles>
